<compile_context>
chip_gen: v7x
topology: tpu7x:2x2x1
jax: 0.10.2.dev20260603
libtpu: 0.0.44.dev20260713+nightly
codegen_flags: <defaults>
</compile_context>

<pallas_src>
import functools

import jax
import jax.numpy as jnp
from jax import lax
from jax.experimental import pallas as pl
from jax.experimental.pallas import tpu as pltpu
from jax.experimental.pallas import tpu_sc as plsc

D_MODEL = 768
N_TOKENS = 4 * 8192
LANES = 16
CHUNK = 64
EPS = 1e-5


_GATHER_DNUMS = lax.GatherDimensionNumbers(
    offset_dims=(), collapsed_slice_dims=(0,), start_index_map=(0,))


def _shuffle(v, idx):
    return lax.gather(v, idx[:, None], _GATHER_DNUMS, slice_sizes=(1,),
                      mode=lax.GatherScatterMode.PROMISE_IN_BOUNDS)


def _lane_sum_all(v):
    idx = lax.iota(jnp.int32, LANES)
    for k in (8, 4, 2, 1):
        v = v + _shuffle(v, jnp.bitwise_xor(idx, k))
    return v


def _rsqrt_scalar(x):
    i = lax.bitcast_convert_type(x, jnp.int32)
    i = jnp.int32(0x5F3759DF) - lax.shift_right_logical(i, 1)
    y = lax.bitcast_convert_type(i, jnp.float32)
    half_x = x * jnp.float32(0.5)
    for _ in range(3):
        y = y * (jnp.float32(1.5) - half_x * y * y)
    return y


def _make_sc_kernel(n_workers):
    rows_per_w = N_TOKENS // n_workers
    n_chunks = rows_per_w // CHUNK
    nvec = D_MODEL // LANES
    mesh = plsc.VectorSubcoreMesh(core_axis_name="c", subcore_axis_name="s")

    @functools.partial(
        pl.kernel,
        mesh=mesh,
        out_type=jax.ShapeDtypeStruct((N_TOKENS, D_MODEL), jnp.float32),
        scratch_types=[
            pltpu.VMEM((CHUNK,), jnp.int32),
            pltpu.VMEM((CHUNK, D_MODEL), jnp.float32),
            pltpu.VMEM((D_MODEL,), jnp.float32),
            pltpu.VMEM((D_MODEL,), jnp.float32),
            pltpu.SemaphoreType.DMA,
        ],
    )
    def embed_ln(idx_hbm, table_hbm, gamma_hbm, beta_hbm, out_hbm,
                 idx_v, rows_v, gamma_v, beta_v, sem):
        n_cores = 2
        wid = lax.axis_index("s") * n_cores + lax.axis_index("c")
        pltpu.sync_copy(gamma_hbm, gamma_v)
        pltpu.sync_copy(beta_hbm, beta_v)

        def chunk_body(c, _):
            base = wid * rows_per_w + c * CHUNK
            pltpu.sync_copy(idx_hbm.at[pl.ds(base, CHUNK)], idx_v)
            pltpu.async_copy(table_hbm.at[idx_v], rows_v, sem).wait()

            def row_body(r, _):
                def stat_body(j, carry):
                    acc, acc2 = carry
                    v = rows_v[r, pl.ds(j * LANES, LANES)]
                    return acc + v, acc2 + v * v

                zero = jnp.zeros((LANES,), jnp.float32)
                acc, acc2 = lax.fori_loop(0, nvec, stat_body, (zero, zero))
                mean_v = _lane_sum_all(acc) * (1.0 / D_MODEL)
                var_v = _lane_sum_all(acc2) * (1.0 / D_MODEL) - mean_v * mean_v
                var_s = (var_v + EPS)[0]
                rstd_v = jnp.full((LANES,), _rsqrt_scalar(var_s), jnp.float32)

                def norm_body(j, _):
                    sl = pl.ds(j * LANES, LANES)
                    v = rows_v[r, sl]
                    rows_v[r, sl] = (v - mean_v) * rstd_v * gamma_v[sl] + beta_v[sl]
                    return 0

                lax.fori_loop(0, nvec, norm_body, 0)
                return 0

            lax.fori_loop(0, CHUNK, row_body, 0)
            pltpu.sync_copy(rows_v, out_hbm.at[pl.ds(base, CHUNK)])
            return 0

        lax.fori_loop(0, n_chunks, chunk_body, 0)

    return embed_ln


def kernel(tokens, W_E, ln_gamma, ln_beta):
    info = plsc.get_sparse_core_info()
    n_workers = info.num_cores * info.num_subcores
    idx = tokens.reshape(-1).astype(jnp.int32)
    out = _make_sc_kernel(n_workers)(idx, W_E, ln_gamma, ln_beta)
    return out.reshape(tokens.shape[0], tokens.shape[1], D_MODEL)

# --- scband reference (transcript-rebuilt; emitter-appended) ---
"""Pipeline reference for scband-embed-84413287236192 (READ-ONLY COPY).

The authoritative reference and input builder live on the scoring server;
editing this copy changes nothing except your own understanding.
"""

import jax, jax.numpy as jnp
import numpy as np

D_MODEL = 768
D_VOCAB = 100000
BATCH = 4
SEQ = 8192

def setup_inputs(seed: int = 0) -> dict:
    key = jax.random.key(seed)
    k_tok, k_we = jax.random.split(key)
    tokens = jax.random.randint(k_tok, (BATCH, SEQ), 0, D_VOCAB, dtype=jnp.int64)
    W_E = jax.random.normal(k_we, (D_VOCAB, D_MODEL), dtype=jnp.float32) * 0.02
    ln_gamma = jnp.ones((D_MODEL,), dtype=jnp.float32)
    ln_beta = jnp.zeros((D_MODEL,), dtype=jnp.float32)
    return {"tokens": tokens, "W_E": W_E, "ln_gamma": ln_gamma, "ln_beta": ln_beta}

def _layer_norm(x, gamma, beta, eps=1e-5):
    mean = jnp.mean(x, axis=-1, keepdims=True)
    var = jnp.var(x, axis=-1, keepdims=True)
    x_hat = (x - mean) / jnp.sqrt(var + eps)
    return x_hat * gamma + beta

def reference(tokens, W_E, ln_gamma, ln_beta):
    # Embedding lookup: W_E[tokens, :]
    emb = jnp.take(W_E, tokens, axis=0)  # [batch, pos, d_model]
    # apply_ln=True -> LayerNorm over last dim
    out = _layer_norm(emb, ln_gamma, ln_beta)
    return out

if __name__ == "__main__":
    import jax
    _d = setup_inputs()
    print(jax.jit(kernel)(*tuple(_d.values())))

</pallas_src>

<mosaic_0001>
#map = affine_map<(d0, d1) -> (0)>
#map1 = affine_map<(d0, d1) -> (0, 0)>
module attributes {stable_mosaic.version = 14 : i64} {
  func.func @embed_ln(%arg0: i32, %arg1: i32, %arg2: memref<32768xi32, #tpu.memory_space<hbm>>, %arg3: memref<100000x768xf32, #tpu.memory_space<hbm>>, %arg4: memref<768xf32, #tpu.memory_space<hbm>>, %arg5: memref<768xf32, #tpu.memory_space<hbm>>, %arg6: memref<32768x768xf32, #tpu.memory_space<hbm>>, %arg7: memref<64xi32, #tpu.memory_space<vmem>>, %arg8: memref<64x768xf32, #tpu.memory_space<vmem>>, %arg9: memref<768xf32, #tpu.memory_space<vmem>>, %arg10: memref<768xf32, #tpu.memory_space<vmem>>, %arg11: memref<!tpu.dma_semaphore, #tpu.memory_space<semaphore_mem>>) attributes {dimension_semantics = [#tpu.dimension_semantics<core_parallel>, #tpu.dimension_semantics<subcore_parallel>], iteration_bounds = array<i64: 2, 16>, scalar_prefetch = 0 : i64, scratch_operands = 5 : i64, tpu.core_type = #tpu.core_type<sc_vector_subcore>, window_params = [{transform_indices = #map}, {transform_indices = #map1}, {transform_indices = #map}, {transform_indices = #map}, {transform_indices = #map1}]} {
    %mul3A = arith.constant 2 : i32
    %mul3A_0 = arith.muli %arg1, %mul3A : i32
    %add3A = arith.addi %mul3A_0, %arg0 : i32
    "tpu.region"() ({
      %run_scoped3A = tpu.sem_alloc : memref<!tpu.dma_semaphore, #tpu.memory_space<semaphore_mem>>
      tpu.enqueue_dma source(%arg4 : memref<768xf32, #tpu.memory_space<hbm>>) target(%arg9 : memref<768xf32, #tpu.memory_space<vmem>>) target_semaphore(%run_scoped3A : memref<!tpu.dma_semaphore, #tpu.memory_space<semaphore_mem>>)
      tpu.wait_dma2 semaphore(%run_scoped3A : memref<!tpu.dma_semaphore, #tpu.memory_space<semaphore_mem>>) src(%arg4 : memref<768xf32, #tpu.memory_space<hbm>>) dst(%arg9 : memref<768xf32, #tpu.memory_space<vmem>>)
      tpu.yield
    }) : () -> ()
    "tpu.region"() ({
      %run_scoped3A = tpu.sem_alloc : memref<!tpu.dma_semaphore, #tpu.memory_space<semaphore_mem>>
      tpu.enqueue_dma source(%arg5 : memref<768xf32, #tpu.memory_space<hbm>>) target(%arg10 : memref<768xf32, #tpu.memory_space<vmem>>) target_semaphore(%run_scoped3A : memref<!tpu.dma_semaphore, #tpu.memory_space<semaphore_mem>>)
      tpu.wait_dma2 semaphore(%run_scoped3A : memref<!tpu.dma_semaphore, #tpu.memory_space<semaphore_mem>>) src(%arg5 : memref<768xf32, #tpu.memory_space<hbm>>) dst(%arg10 : memref<768xf32, #tpu.memory_space<vmem>>)
      tpu.yield
    }) : () -> ()
    %scan3A = arith.constant 0 : i32
    %scan3A_1 = arith.constant 0 : i32
    %scan3A_2 = arith.constant 16 : i32
    %scan3A_3 = arith.addi %scan3A_1, %scan3A_2 : i32
    %scan3A_4 = arith.constant 1 : i32
    %scan3A_5 = scf.for %scan3A_7 = %scan3A_1 to %scan3A_3 step %scan3A_4 iter_args(%scan3A_8 = %scan3A) -> (i32)  : i32 {
      %mul3A_9 = arith.constant 1024 : i32
      %mul3A_10 = arith.muli %add3A, %mul3A_9 : i32
      %mul3A_11 = arith.constant 64 : i32
      %mul3A_12 = arith.muli %scan3A_7, %mul3A_11 : i32
      %add3A_13 = arith.addi %mul3A_10, %mul3A_12 : i32
      "tpu.region"() ({
        %run_scoped3A = tpu.sem_alloc : memref<!tpu.dma_semaphore, #tpu.memory_space<semaphore_mem>>
        %dma_start3A_26 = tpu.memref_slice %arg2[%add3A_13] : memref<32768xi32, #tpu.memory_space<hbm>> -> memref<64xi32, #tpu.memory_space<hbm>>
        %dma_start3A_27 = tpu.memref_slice %arg2[%add3A_13] : memref<32768xi32, #tpu.memory_space<hbm>> -> memref<64xi32, #tpu.memory_space<hbm>>
        tpu.enqueue_dma source(%dma_start3A_27 : memref<64xi32, #tpu.memory_space<hbm>>) target(%arg7 : memref<64xi32, #tpu.memory_space<vmem>>) target_semaphore(%run_scoped3A : memref<!tpu.dma_semaphore, #tpu.memory_space<semaphore_mem>>)
        %dma_wait3A_28 = tpu.memref_slice %arg2[%add3A_13] : memref<32768xi32, #tpu.memory_space<hbm>> -> memref<64xi32, #tpu.memory_space<hbm>>
        %dma_wait3A_29 = tpu.memref_slice %arg2[%add3A_13] : memref<32768xi32, #tpu.memory_space<hbm>> -> memref<64xi32, #tpu.memory_space<hbm>>
        tpu.wait_dma2 semaphore(%run_scoped3A : memref<!tpu.dma_semaphore, #tpu.memory_space<semaphore_mem>>) src(%dma_wait3A_29 : memref<64xi32, #tpu.memory_space<hbm>>) dst(%arg7 : memref<64xi32, #tpu.memory_space<vmem>>)
        tpu.yield
      }) : () -> ()
      %dma_start3A = arith.constant 0 : i32
      %dma_start3A_14 = arith.constant 0 : i32
      %dma_start3A_15 = tpu.memref_slice %arg3[%dma_start3A, %dma_start3A_14] : memref<100000x768xf32, #tpu.memory_space<hbm>> -> memref<100000x768xf32, #tpu.memory_space<hbm>>
      tpu.enqueue_indirect_dma source(%dma_start3A_15 : memref<100000x768xf32, #tpu.memory_space<hbm>>) target(%arg8 : memref<64x768xf32, #tpu.memory_space<vmem>>) offsets(%arg7 : memref<64xi32, #tpu.memory_space<vmem>>) semaphore(%arg11 : memref<!tpu.dma_semaphore, #tpu.memory_space<semaphore_mem>>)
      %dma_wait3A = arith.constant 0 : i32
      %dma_wait3A_16 = arith.constant 0 : i32
      %dma_wait3A_17 = tpu.memref_slice %arg3[%dma_wait3A, %dma_wait3A_16] : memref<100000x768xf32, #tpu.memory_space<hbm>> -> memref<100000x768xf32, #tpu.memory_space<hbm>>
      tpu.wait_indirect_dma semaphore(%arg11 : memref<!tpu.dma_semaphore, #tpu.memory_space<semaphore_mem>>) src(%dma_wait3A_17 : memref<100000x768xf32, #tpu.memory_space<hbm>>) dst(%arg8 : memref<64x768xf32, #tpu.memory_space<vmem>>)
      %scan3A_18 = arith.constant 0 : i32
      %scan3A_19 = arith.constant 0 : i32
      %scan3A_20 = arith.constant 64 : i32
      %scan3A_21 = arith.addi %scan3A_19, %scan3A_20 : i32
      %scan3A_22 = arith.constant 1 : i32
      %scan3A_23 = scf.for %scan3A_26 = %scan3A_19 to %scan3A_21 step %scan3A_22 iter_args(%scan3A_27 = %scan3A_18) -> (i32)  : i32 {
        %broadcast_in_dim3A = arith.constant 0.000000e+00 : f32
        %broadcast_in_dim3A_28 = vector.broadcast %broadcast_in_dim3A : f32 to vector<16xf32>
        %scan3A_29 = arith.constant 0 : i32
        %scan3A_30 = arith.constant 48 : i32
        %scan3A_31 = arith.addi %scan3A_29, %scan3A_30 : i32
        %scan3A_32 = arith.constant 1 : i32
        %scan3A_33:2 = scf.for %scan3A_130 = %scan3A_29 to %scan3A_31 step %scan3A_32 iter_args(%scan3A_131 = %broadcast_in_dim3A_28, %scan3A_132 = %broadcast_in_dim3A_28) -> (vector<16xf32>, vector<16xf32>)  : i32 {
          %mul3A_133 = arith.constant 16 : i32
          %mul3A_134 = arith.muli %scan3A_130, %mul3A_133 : i32
          %get3A = arith.index_cast %scan3A_26 : i32 to index
          %get3A_135 = arith.index_cast %mul3A_134 : i32 to index
          %get3A_136 = tpu.vector_load %arg8[%get3A, %get3A_135] {strides = array<i32>} : memref<64x768xf32, #tpu.memory_space<vmem>>, vector<1x16xf32>,
          %get3A_137 = vector.shape_cast %get3A_136 : vector<1x16xf32> to vector<16xf32>
          %add3A_138 = arith.addf %scan3A_131, %get3A_137 : vector<16xf32>
          %mul3A_139 = arith.mulf %get3A_137, %get3A_137 : vector<16xf32>
          %add3A_140 = arith.addf %scan3A_132, %mul3A_139 : vector<16xf32>
          scf.yield %add3A_138, %add3A_140 : vector<16xf32>, vector<16xf32>
        }
        %scan3A_34 = arith.constant 48 : i32
        %iota3A = tpu.iota {dimensions = array<i32: 0>} : vector<16xi32>
        %xor3A = arith.constant 8 : i32
        %xor3A_35 = vector.broadcast %xor3A : i32 to vector<16xi32>
        %xor3A_36 = arith.xori %iota3A, %xor3A_35 : vector<16xi32>
        %broadcast_in_dim3A_37 = vector.shape_cast %xor3A_36 : vector<16xi32> to vector<16x1xi32>
        %gather3A = vector.shape_cast %broadcast_in_dim3A_37 : vector<16x1xi32> to vector<16xi32>
        %gather3A_38 = tpu.dynamic_gather %scan3A_33#0[%gather3A] in [0] : vector<16xf32>, vector<16xi32> -> vector<16xf32>
        %add3A_39 = arith.addf %scan3A_33#0, %gather3A_38 : vector<16xf32>
        %xor3A_40 = arith.constant 4 : i32
        %xor3A_41 = vector.broadcast %xor3A_40 : i32 to vector<16xi32>
        %xor3A_42 = arith.xori %iota3A, %xor3A_41 : vector<16xi32>
        %broadcast_in_dim3A_43 = vector.shape_cast %xor3A_42 : vector<16xi32> to vector<16x1xi32>
        %gather3A_44 = vector.shape_cast %broadcast_in_dim3A_43 : vector<16x1xi32> to vector<16xi32>
        %gather3A_45 = tpu.dynamic_gather %add3A_39[%gather3A_44] in [0] : vector<16xf32>, vector<16xi32> -> vector<16xf32>
        %add3A_46 = arith.addf %add3A_39, %gather3A_45 : vector<16xf32>
        %xor3A_47 = arith.constant 2 : i32
        %xor3A_48 = vector.broadcast %xor3A_47 : i32 to vector<16xi32>
        %xor3A_49 = arith.xori %iota3A, %xor3A_48 : vector<16xi32>
        %broadcast_in_dim3A_50 = vector.shape_cast %xor3A_49 : vector<16xi32> to vector<16x1xi32>
        %gather3A_51 = vector.shape_cast %broadcast_in_dim3A_50 : vector<16x1xi32> to vector<16xi32>
        %gather3A_52 = tpu.dynamic_gather %add3A_46[%gather3A_51] in [0] : vector<16xf32>, vector<16xi32> -> vector<16xf32>
        %add3A_53 = arith.addf %add3A_46, %gather3A_52 : vector<16xf32>
        %xor3A_54 = arith.constant 1 : i32
        %xor3A_55 = vector.broadcast %xor3A_54 : i32 to vector<16xi32>
        %xor3A_56 = arith.xori %iota3A, %xor3A_55 : vector<16xi32>
        %broadcast_in_dim3A_57 = vector.shape_cast %xor3A_56 : vector<16xi32> to vector<16x1xi32>
        %gather3A_58 = vector.shape_cast %broadcast_in_dim3A_57 : vector<16x1xi32> to vector<16xi32>
        %gather3A_59 = tpu.dynamic_gather %add3A_53[%gather3A_58] in [0] : vector<16xf32>, vector<16xi32> -> vector<16xf32>
        %add3A_60 = arith.addf %add3A_53, %gather3A_59 : vector<16xf32>
        %mul3A_61 = arith.constant 0.00130208337 : f32
        %mul3A_62 = vector.broadcast %mul3A_61 : f32 to vector<16xf32>
        %mul3A_63 = arith.mulf %add3A_60, %mul3A_62 : vector<16xf32>
        %iota3A_64 = tpu.iota {dimensions = array<i32: 0>} : vector<16xi32>
        %xor3A_65 = arith.constant 8 : i32
        %xor3A_66 = vector.broadcast %xor3A_65 : i32 to vector<16xi32>
        %xor3A_67 = arith.xori %iota3A_64, %xor3A_66 : vector<16xi32>
        %broadcast_in_dim3A_68 = vector.shape_cast %xor3A_67 : vector<16xi32> to vector<16x1xi32>
        %gather3A_69 = vector.shape_cast %broadcast_in_dim3A_68 : vector<16x1xi32> to vector<16xi32>
        %gather3A_70 = tpu.dynamic_gather %scan3A_33#1[%gather3A_69] in [0] : vector<16xf32>, vector<16xi32> -> vector<16xf32>
        %add3A_71 = arith.addf %scan3A_33#1, %gather3A_70 : vector<16xf32>
        %xor3A_72 = arith.constant 4 : i32
        %xor3A_73 = vector.broadcast %xor3A_72 : i32 to vector<16xi32>
        %xor3A_74 = arith.xori %iota3A_64, %xor3A_73 : vector<16xi32>
        %broadcast_in_dim3A_75 = vector.shape_cast %xor3A_74 : vector<16xi32> to vector<16x1xi32>
        %gather3A_76 = vector.shape_cast %broadcast_in_dim3A_75 : vector<16x1xi32> to vector<16xi32>
        %gather3A_77 = tpu.dynamic_gather %add3A_71[%gather3A_76] in [0] : vector<16xf32>, vector<16xi32> -> vector<16xf32>
        %add3A_78 = arith.addf %add3A_71, %gather3A_77 : vector<16xf32>
        %xor3A_79 = arith.constant 2 : i32
        %xor3A_80 = vector.broadcast %xor3A_79 : i32 to vector<16xi32>
        %xor3A_81 = arith.xori %iota3A_64, %xor3A_80 : vector<16xi32>
        %broadcast_in_dim3A_82 = vector.shape_cast %xor3A_81 : vector<16xi32> to vector<16x1xi32>
        %gather3A_83 = vector.shape_cast %broadcast_in_dim3A_82 : vector<16x1xi32> to vector<16xi32>
        %gather3A_84 = tpu.dynamic_gather %add3A_78[%gather3A_83] in [0] : vector<16xf32>, vector<16xi32> -> vector<16xf32>
        %add3A_85 = arith.addf %add3A_78, %gather3A_84 : vector<16xf32>
        %xor3A_86 = arith.constant 1 : i32
        %xor3A_87 = vector.broadcast %xor3A_86 : i32 to vector<16xi32>
        %xor3A_88 = arith.xori %iota3A_64, %xor3A_87 : vector<16xi32>
        %broadcast_in_dim3A_89 = vector.shape_cast %xor3A_88 : vector<16xi32> to vector<16x1xi32>
        %gather3A_90 = vector.shape_cast %broadcast_in_dim3A_89 : vector<16x1xi32> to vector<16xi32>
        %gather3A_91 = tpu.dynamic_gather %add3A_85[%gather3A_90] in [0] : vector<16xf32>, vector<16xi32> -> vector<16xf32>
        %add3A_92 = arith.addf %add3A_85, %gather3A_91 : vector<16xf32>
        %mul3A_93 = arith.constant 0.00130208337 : f32
        %mul3A_94 = vector.broadcast %mul3A_93 : f32 to vector<16xf32>
        %mul3A_95 = arith.mulf %add3A_92, %mul3A_94 : vector<16xf32>
        %mul3A_96 = arith.mulf %mul3A_63, %mul3A_63 : vector<16xf32>
        %sub3A = arith.subf %mul3A_95, %mul3A_96 : vector<16xf32>
        %add3A_97 = arith.constant 9.99999974E-6 : f32
        %add3A_98 = vector.broadcast %add3A_97 : f32 to vector<16xf32>
        %add3A_99 = arith.addf %sub3A, %add3A_98 : vector<16xf32>
        %slice3A = vector.extract_strided_slice %add3A_99 {offsets = [0], sizes = [1], strides = [1]} : vector<16xf32> to vector<1xf32>
        %squeeze3A = vector.extract %slice3A[0] : f32 from vector<1xf32>
        %bitcast_convert_type3A = arith.bitcast %squeeze3A : f32 to i32
        %shift_right_logical3A = arith.constant 1 : i32
        %shift_right_logical3A_100 = arith.shrui %bitcast_convert_type3A, %shift_right_logical3A : i32
        %sub3A_101 = arith.constant 1597463007 : i32
        %sub3A_102 = arith.subi %sub3A_101, %shift_right_logical3A_100 : i32
        %bitcast_convert_type3A_103 = arith.bitcast %sub3A_102 : i32 to f32
        %mul3A_104 = arith.constant 5.000000e-01 : f32
        %mul3A_105 = arith.mulf %squeeze3A, %mul3A_104 : f32
        %mul3A_106 = arith.mulf %mul3A_105, %bitcast_convert_type3A_103 : f32
        %mul3A_107 = arith.mulf %mul3A_106, %bitcast_convert_type3A_103 : f32
        %sub3A_108 = arith.constant 1.500000e+00 : f32
        %sub3A_109 = arith.subf %sub3A_108, %mul3A_107 : f32
        %mul3A_110 = arith.mulf %bitcast_convert_type3A_103, %sub3A_109 : f32
        %mul3A_111 = arith.mulf %mul3A_105, %mul3A_110 : f32
        %mul3A_112 = arith.mulf %mul3A_111, %mul3A_110 : f32
        %sub3A_113 = arith.constant 1.500000e+00 : f32
        %sub3A_114 = arith.subf %sub3A_113, %mul3A_112 : f32
        %mul3A_115 = arith.mulf %mul3A_110, %sub3A_114 : f32
        %mul3A_116 = arith.mulf %mul3A_105, %mul3A_115 : f32
        %mul3A_117 = arith.mulf %mul3A_116, %mul3A_115 : f32
        %sub3A_118 = arith.constant 1.500000e+00 : f32
        %sub3A_119 = arith.subf %sub3A_118, %mul3A_117 : f32
        %mul3A_120 = arith.mulf %mul3A_115, %sub3A_119 : f32
        %broadcast_in_dim3A_121 = vector.broadcast %mul3A_120 : f32 to vector<16xf32>
        %scan3A_122 = arith.constant 0 : i32
        %scan3A_123 = arith.constant 0 : i32
        %scan3A_124 = arith.constant 48 : i32
        %scan3A_125 = arith.addi %scan3A_123, %scan3A_124 : i32
        %scan3A_126 = arith.constant 1 : i32
        %scan3A_127 = scf.for %scan3A_130 = %scan3A_123 to %scan3A_125 step %scan3A_126 iter_args(%scan3A_131 = %scan3A_122) -> (i32)  : i32 {
          %mul3A_132 = arith.constant 16 : i32
          %mul3A_133 = arith.muli %scan3A_130, %mul3A_132 : i32
          %get3A = arith.index_cast %scan3A_26 : i32 to index
          %get3A_134 = arith.index_cast %mul3A_133 : i32 to index
          %get3A_135 = tpu.vector_load %arg8[%get3A, %get3A_134] {strides = array<i32>} : memref<64x768xf32, #tpu.memory_space<vmem>>, vector<1x16xf32>,
          %get3A_136 = vector.shape_cast %get3A_135 : vector<1x16xf32> to vector<16xf32>
          %sub3A_137 = arith.subf %get3A_136, %mul3A_63 : vector<16xf32>
          %mul3A_138 = arith.mulf %sub3A_137, %broadcast_in_dim3A_121 : vector<16xf32>
          %get3A_139 = arith.index_cast %mul3A_133 : i32 to index
          %get3A_140 = tpu.vector_load %arg9[%get3A_139] {strides = array<i32>} : memref<768xf32, #tpu.memory_space<vmem>>, vector<16xf32>,
          %get3A_141 = vector.shape_cast %get3A_140 : vector<16xf32> to vector<16xf32>
          %mul3A_142 = arith.mulf %mul3A_138, %get3A_141 : vector<16xf32>
          %get3A_143 = arith.index_cast %mul3A_133 : i32 to index
          %get3A_144 = tpu.vector_load %arg10[%get3A_143] {strides = array<i32>} : memref<768xf32, #tpu.memory_space<vmem>>, vector<16xf32>,
          %get3A_145 = vector.shape_cast %get3A_144 : vector<16xf32> to vector<16xf32>
          %add3A_146 = arith.addf %mul3A_142, %get3A_145 : vector<16xf32>
          %swap3A = arith.index_cast %scan3A_26 : i32 to index
          %swap3A_147 = arith.index_cast %mul3A_133 : i32 to index
          %swap3A_148 = tpu.vector_load %arg8[%swap3A, %swap3A_147] {strides = array<i32>} : memref<64x768xf32, #tpu.memory_space<vmem>>, vector<1x16xf32>,
          %swap3A_149 = vector.shape_cast %swap3A_148 : vector<1x16xf32> to vector<16xf32>
          %swap3A_150 = vector.shape_cast %add3A_146 : vector<16xf32> to vector<1x16xf32>
          tpu.vector_store %arg8[%swap3A, %swap3A_147], %swap3A_150 {strides = array<i32>} : memref<64x768xf32, #tpu.memory_space<vmem>>, vector<1x16xf32>,
          %scan3A_151 = arith.constant 0 : i32
          scf.yield %scan3A_151 : i32
        }
        %scan3A_128 = arith.constant 48 : i32
        %scan3A_129 = arith.constant 0 : i32
        scf.yield %scan3A_129 : i32
      }
      %scan3A_24 = arith.constant 64 : i32
      "tpu.region"() ({
        %run_scoped3A = tpu.sem_alloc : memref<!tpu.dma_semaphore, #tpu.memory_space<semaphore_mem>>
        %dma_start3A_26 = arith.constant 0 : i32
        %dma_start3A_27 = tpu.memref_slice %arg6[%add3A_13, %dma_start3A_26] : memref<32768x768xf32, #tpu.memory_space<hbm>> -> memref<64x768xf32, #tpu.memory_space<hbm>>
        %dma_start3A_28 = arith.constant 0 : i32
        %dma_start3A_29 = tpu.memref_slice %arg6[%add3A_13, %dma_start3A_28] : memref<32768x768xf32, #tpu.memory_space<hbm>> -> memref<64x768xf32, #tpu.memory_space<hbm>>
        tpu.enqueue_dma source(%arg8 : memref<64x768xf32, #tpu.memory_space<vmem>>) target(%dma_start3A_29 : memref<64x768xf32, #tpu.memory_space<hbm>>) target_semaphore(%run_scoped3A : memref<!tpu.dma_semaphore, #tpu.memory_space<semaphore_mem>>)
        %dma_wait3A_30 = arith.constant 0 : i32
        %dma_wait3A_31 = tpu.memref_slice %arg6[%add3A_13, %dma_wait3A_30] : memref<32768x768xf32, #tpu.memory_space<hbm>> -> memref<64x768xf32, #tpu.memory_space<hbm>>
        %dma_wait3A_32 = arith.constant 0 : i32
        %dma_wait3A_33 = tpu.memref_slice %arg6[%add3A_13, %dma_wait3A_32] : memref<32768x768xf32, #tpu.memory_space<hbm>> -> memref<64x768xf32, #tpu.memory_space<hbm>>
        tpu.wait_dma2 semaphore(%run_scoped3A : memref<!tpu.dma_semaphore, #tpu.memory_space<semaphore_mem>>) src(%arg8 : memref<64x768xf32, #tpu.memory_space<vmem>>) dst(%dma_wait3A_33 : memref<64x768xf32, #tpu.memory_space<hbm>>)
        tpu.yield
      }) : () -> ()
      %scan3A_25 = arith.constant 0 : i32
      scf.yield %scan3A_25 : i32
    }
    %scan3A_6 = arith.constant 16 : i32
    return
  }
}

</mosaic_0001>

<sc_bundles>
// kernel: kernel.3.cloned.1.call-start
scs
__scs_entry_jumppad:
0x0: {  	(pc) =	sbr.rel $0x88, $3  }
0x1: {  	(tag) =	ssettag $0x0;
	lr =	simm.s32 $0x1  }
0x2: {  	[smem:$0x3F9D] =	sst lr;
	_ =	strace $0xD0000000  }
0x3: {  	_ = 	snop  }
0x4: {  	_ = 	snop  }
0x5: {  	_ = 	snop  }
0x6: {  	_ = 	snop  }
0x7: {  	_ = 	snop  }
__scs_overlays_trampoline_lowered:
0x8: {  	[smem:$0x3FAC] =	sst s0  }
0x9: {  	[smem:$0x3FAD] =	sst s1  }
0xa: {  	[smem:$0x3FAE] =	sst s2  }
0xb: {  	[smem:$0x3FAF] =	sst s3  }
0xc: {  	[smem:$0x3FB0] =	sst s4  }
0xd: {  	[smem:$0x3FB1] =	sst s5  }
0xe: {  	[smem:$0x3FB2] =	sst s6  }
0xf: {  	[smem:$0x3FB3] =	sst s7  }
0x10: {  	[smem:$0x3FB4] =	sst s8  }
0x11: {  	[smem:$0x3FB5] =	sst s9;
	s0 =	simm.s32 @!p0 $0x0  }
0x12: {  	s1 =	sld [smem:$0x3F9B];
	s0 =	simm.s32 @p0 $0x1  }
0x13: {  	[smem:$0x3FB6] =	sst s0;
	s0 =	simm.s32 @!p1 $0x0  }
0x14: {  	s2 =	sld [smem:$0x3F9A];
	s0 =	simm.s32 @p1 $0x1  }
0x15: {  	[smem:$0x3FB7] =	sst s0;
	s0 =	simm.s32 @!p2 $0x0  }
0x16: {  	s3 =	sld [smem:$0x3FDB];
	s0 =	simm.s32 @p2 $0x1  }
0x17: {  	s4 =	simm.s32 $0x1BF5;
	[smem:$0x3FB9] =	sst s0  }
0x18: {  	s0 =	sld [smem:$0x3F9C];
	_ =	swait.ge [sflag:s4], $0x0  }
0x19: {  	s7 =	sld [smem:$0x3F9D]  }
0x1a: {  	s8 =	sadd.s32 $0xFFFFE003, lr  }
0x1b: {  	s9 =	sadd.s32 $0xFFFFFEF7, lr;
	s5 =	simm.s32 $0xFFFFFFFF;
	p2 =	slt.u32 s8, $0xFFFFF086  }
0x1c: {  	p1 =	slt.u32 s9, $0xF7A;
	s5 =	simm.s32 @!p2 $0x0  }
0x1d: {  	s5 =	simm.s32 @p1 $0x1;
	p0 =	seq.s32 s7, s2  }
0x1e: {  	s7 =	smul.u32 @!p0 $0xF7A, s2;
	p2 =	seq.s32 @!p0 s5, $0x0  }
0x1f: {  	s9 =	smul.u32 $0xF7A, s1;
	s8 =	simm.s32 @!p0 $0x1BF5;
	p2 =	por !p2, p0  }
0x20: {  	[sflag:s8] =	ssyncset.s32 @!p0 $0xFFFFF086;
	s6 =	sadd.s32 @!p0 s3, s7;
	s7 =	simm.s32 @!p0 $0x108  }
0x21: {  	s3 =	sadd.s32 s3, s9;
	s6 =	sadd.s32 @!p0 $0x88, s6;
	s7 =	simm.s32 @p2 $0x1082  }
0x22: {  	[simem:s7], [sflag:s8] =	dma.local @!p0 [hbm:s6], $0xF7A  }
0x23: {  	s9 =	sor.u32 $0xD0000000, s2;
	s6 =	simm.s32 $0x108;
	_ =	swait.ge @!p0 [sflag:s8], $0x0  }
0x24: {  	s3 =	sadd.s32 $0x88, s3;
	s6 =	simm.s32 @!p1 $0x1082;
	[sflag:s4] =	ssyncset.s32 $0xFFFFF086  }
0x25: {  	[simem:s6], [sflag:s4] =	dma.local [hbm:s3], $0xF7A  }
0x26: {  	[smem:$0x3F9D] =	sst s1;
	(tag) =	ssettag s2;
	_ =	strace s9  }
0x27: {  	s1 =	sld [smem:$0x3FAD]  }
0x28: {  	s2 =	sld [smem:$0x3FAE]  }
0x29: {  	s4 =	sld [smem:$0x3FB0]  }
0x2a: {  	p0 =	seq.s32 s5, $0x0;
	s5 =	sld [smem:$0x3FB1]  }
0x2b: {  	s6 =	sld [smem:$0x3FB2]  }
0x2c: {  	s7 =	sld [smem:$0x3FB3]  }
0x2d: {  	s3 =	simm.s32 $0x108;
	s8 =	sld [smem:$0x3FB4]  }
0x2e: {  	s3 =	simm.s32 @!p0 $0x1082;
	s9 =	sld [smem:$0x3FB5]  }
0x2f: {  	lr =	sadd.s32 s0, s3;
	s0 =	sld [smem:$0x3FAC]  }
0x30: {  	s3 =	sld [smem:$0x3FAF]  }
0x31: {  	[smem:$0x3FB8] =	sst s10  }
0x32: {  	s10 =	sld [smem:$0x3FB6];
	_ =	sdelay $0x3  }
0x33: {  	p0 =	seq.s32 s10, $0x1;
	s10 =	sld [smem:$0x3FB8];
	_ =	sdelay $0x3  }
0x34: {  	[smem:$0x3FB8] =	sst s10  }
0x35: {  	s10 =	sld [smem:$0x3FB7];
	_ =	sdelay $0x3  }
0x36: {  	p1 =	seq.s32 s10, $0x1;
	s10 =	sld [smem:$0x3FB8];
	_ =	sdelay $0x3  }
0x37: {  	[smem:$0x3FB8] =	sst s10  }
0x38: {  	s10 =	sld [smem:$0x3FB9]  }
0x39: {  	_ = 	snop;
	(pc) =	sbr.ind lr, $3  }
0x3a: {  	_ = 	snop  }
0x3b: {  	_ = 	snop  }
0x3c: {  	p2 =	seq.s32 s10, $0x1;
	s10 =	sld [smem:$0x3FB8]  }
0x3d: {  	_ =	shalt  }
0x3e: {  	_ =	shalt  }
0x3f: {  	_ =	shalt  }
0x40: {  	_ =	shalt  }
0x41: {  	_ =	shalt  }
0x42: {  	_ =	shalt  }
0x43: {  	_ =	shalt  }
0x44: {  	_ =	shalt  }
0x45: {  	_ =	shalt  }
0x46: {  	_ =	shalt  }
0x47: {  	_ =	shalt  }
0x48: {  	_ =	shalt  }
0x49: {  	_ =	shalt  }
0x4a: {  	_ =	shalt  }
0x4b: {  	_ =	shalt  }
0x4c: {  	_ =	shalt  }
0x4d: {  	_ =	shalt  }
0x4e: {  	_ =	shalt  }
0x4f: {  	_ =	shalt  }
0x50: {  	_ =	shalt  }
0x51: {  	_ =	shalt  }
0x52: {  	_ =	shalt  }
0x53: {  	_ =	shalt  }
0x54: {  	_ =	shalt  }
0x55: {  	_ =	shalt  }
0x56: {  	_ =	shalt  }
0x57: {  	_ =	shalt  }
0x58: {  	_ =	shalt  }
0x59: {  	_ =	shalt  }
0x5a: {  	_ =	shalt  }
0x5b: {  	_ =	shalt  }
0x5c: {  	_ =	shalt  }
0x5d: {  	_ =	shalt  }
0x5e: {  	_ =	shalt  }
0x5f: {  	_ =	shalt  }
0x60: {  	_ =	shalt  }
0x61: {  	_ =	shalt  }
0x62: {  	_ =	shalt  }
0x63: {  	_ =	shalt  }
0x64: {  	_ =	shalt  }
0x65: {  	_ =	shalt  }
0x66: {  	_ =	shalt  }
0x67: {  	_ =	shalt  }
0x68: {  	_ =	shalt  }
0x69: {  	_ =	shalt  }
0x6a: {  	_ =	shalt  }
0x6b: {  	_ =	shalt  }
0x6c: {  	_ =	shalt  }
0x6d: {  	_ =	shalt  }
0x6e: {  	_ =	shalt  }
0x6f: {  	_ =	shalt  }
0x70: {  	_ =	shalt  }
0x71: {  	_ =	shalt  }
0x72: {  	_ =	shalt  }
0x73: {  	_ =	shalt  }
0x74: {  	_ =	shalt  }
0x75: {  	_ =	shalt  }
0x76: {  	_ =	shalt  }
0x77: {  	_ =	shalt  }
0x78: {  	_ =	shalt  }
0x79: {  	_ =	shalt  }
0x7a: {  	_ =	shalt  }
0x7b: {  	_ =	shalt  }
0x7c: {  	_ =	shalt  }
0x7d: {  	_ =	shalt  }
0x7e: {  	_ =	shalt  }
0x7f: {  	_ =	shalt  }
0x80: {  	_ =	shalt  }
0x81: {  	_ =	shalt  }
0x82: {  	_ =	shalt  }
0x83: {  	_ =	shalt  }
0x84: {  	_ =	shalt  }
0x85: {  	_ =	shalt  }
0x86: {  	_ =	shalt  }
0x87: {  	_ =	shalt  }
.Lfunc_end0:
.L_simem_size_0:
called_computation_lowered:
.L_overlay_start_0:
0x88: {  	s2 =	sld [smem:$0x3FD9]  }
0x89: {  	s3 =	sld [smem:$0x3FFE];
	_ =	sdelay $0x1  }
0x8a: {  	s1 =	srdreg.scid  }
0x8b: {  	s0 =	sand.u32 $0x1, s1  }
0x8c: {  	s17 =	sshll.u32 s0, $0xA;
	s2 =	sadd.s32 s3, s2  }
0x8d: {  	s2 =	sadd.s32 s2, s17  }
0x8e: {  	[smem:$0x3FC4] =	sst s2  }
0x8f: {  	_ = 	snop  }
0x90: {  	s2 =	sld [smem:$0x3FC8]  }
0x91: {  	s18 =	sld [smem:$0x3FC7]  }
0x92: {  	s4 =	sld [smem:$0x3FC6]  }
0x93: {  	s5 =	sld [smem:$0x3FD0];
	(tm) =	ssettm $0x1  }
0x94: {  	s6 =	sld [smem:$0x3FFB];
	_ =	sdelay $0x3  }
0x95: {  	_ =	strace s6  }
0x96: {  	s6 =	sld [smem:$0x3FFC];
	_ =	sdelay $0x3  }
0x97: {  	_ =	strace s6  }
0x98: {  	s6 =	sld [smem:$0x3FFD];
	_ =	sdelay $0x3  }
0x99: {  	_ =	strace s6  }
0x9a: {  	_ =	strace $0x8FFFFFFF  }
0x9b: {  	s19 =	sld [smem:$0x3FDB];
	_ =	sdelay $0x1  }
0x9c: {  	s7 =	simm.s32 $_scs_section_size  }
0x9d: {  	s8 =	simm.s32 $_size__tile_overlayer_lowered;
	s9 =	simm.s32 $_tile_overlayer_lowered  }
0x9e: {  	s22 =	simm.s32 $0x1BFF;
	s21 =	sshll.u32 s9, $0x1;
	s6 =	sadd.s32 s7, s19  }
0x9f: {  	s10 =	simm.s32 $0x0;
	s20 =	sshll.u32 s8, $0x1;
	s8 =	sadd.s32 s21, s6  }
0xa0: {  	[timem:s10], [sflag:s22] =	dma.local [hbm:s8], s20  }
0xa1: {  	_ =	swait.ge [sflag:s22], s20  }
0xa2: {  	s7 =	ssub.s32 $0x0, s20;
	[sflag:s22] =	ssyncset.done $0x0  }
0xa3: {  	[sflag:s22] =	ssyncadd.s32 s7;
	_ =	sdelay $0x1  }
0xa4: {  	s23 =	simm.s32 $0x1B8B  }
0xa5: {  	_ =	swait.ge [sflag:s23], $0x1  }
0xa6: {  	[sflag:s23] =	ssyncset.done $0x0  }
0xa7: {  	s25 =	simm.s32 $0x1B8E;
	s24 =	sld [smem:$0x3FFE];
	[sflag:s23] =	ssyncadd.s32 $0xFFFFFFFF  }
0xa8: {  	s26 =	simm.s32 $execute0_lowered;
	[smem:$0x3FD2] =	sst s25  }
0xa9: {  	s8 =	sshll.u32 s26, $0x1;
	_ =	strace $0x80000046;
	[dreg:$0x1] =	wrdreg $0xFFFFFFFF  }
0xaa: {  	s28 =	simm.s32 $_size_execute0_lowered;
	s6 =	sadd.s32 s6, s8;
	[dreg:$0x0] =	wrdreg $0x0  }
0xab: {  	s8 =	sshll.u32 s28, $0x1;
	[dreg:$0x2] =	wrdreg s6  }
0xac: {  	[dreg:$0x3] =	wrdreg s8  }
0xad: {  	[dreg:$0x4] =	wrdreg $0xC0  }
0xae: {  	_ =	task [dreg:s10], $0x5FFFF  }
0xaf: {  	[dreg:$0x1] =	wrdreg $0xFFFFFFFF  }
0xb0: {  	[dreg:$0x0] =	wrdreg $0x60  }
0xb1: {  	[dreg:$0x2] =	wrdreg s24  }
0xb2: {  	[dreg:$0x3] =	wrdreg s2  }
0xb3: {  	[dreg:$0x4] =	wrdreg s18  }
0xb4: {  	[dreg:$0x5] =	wrdreg s4  }
0xb5: {  	[dreg:$0x6] =	wrdreg s5  }
0xb6: {  	[dreg:$0x7] =	wrdreg $0x9  }
0xb7: {  	_ =	task.clear_ibuf [dreg:s10], $0x8FFFF;
	_ =	strace $0x90000046  }
0xb8: {  	s29 =	simm.s32 $0x9;
	_ =	strace $0x80000048  }
0xb9: {  	_ =	swait.ge [sflag:s29], $0x1  }
0xba: {  	[sflag:s29] =	ssyncadd.s32 $0xFFFFFFFF  }
0xbb: {  	_ =	strace $0x90000048  }
0xbc: {  	_ =	sfence  }
0xbd: {  	s30 =	sld [smem:$0x0];
	_ =	sdelay $0x2  }
0xbe: {  	s31 =	sshll.u32 s1, $0xD;
	s1 =	sshrl.u32 s1, $0x2  }
0xbf: {  	s3 =	sand.u32 $0x4000, s31;
	s1 =	sadd.s32 s1, s30  }
0xc0: {  	s0 =	sor.u32 s3, s0;
	s1 =	sshll.u32 s1, $0x11  }
0xc1: {  	s0 =	sor.u32 s1, s0  }
0xc2: {  	s0 =	sadd.s32 $0x8F2B, s0  }
0xc3: {  	[sflag:s0] =	ssyncadd.remote.s32 $0x1  }
0xc4: {  	_ =	sfence.sel $0xFFFF  }
0xc5: {  	[dreg:$0x0] =	wrdreg $0xFFFFFFFF;
	(pc) =	sbr.abs _section_cstart, $3  }
0xc6: {  	[dreg:$0x1] =	wrdreg $0xFFFFFFFF  }
0xc7: {  	_ =	task.clear_ibuf [dreg:s10], $0x2FFFF;
	_ =	strace $0x9FFFFFFF  }
0xc8: {  	(tm) =	ssettm $0x7FFFFFFF  }
0xc9: {  	_ =	shalt  }
tec
execute0_lowered:
.L_overlay_start_1:
0x0: {  	(tag) =	ssettag $0x1  }
0x1: {  	v0 =	vimm.s32 $0xBA98FEDC;
	v1 =	vimm.s32 $0x76543210  }
0x2: {  	s0 =	rddreg [dreg:$0x0];
	v2 =	vimm.s32 $0xFEDCBA98;
	v3 =	vimm.s32 $0x32107654;
	v4 =	vimm.s32 $0xDCFE98BA  }
0x3: {  	s1 =	rddreg [dreg:$0x1];
	s3 =	simm.s32 $0x0;
	v5 =	vimm.s32 $0x54761032;
	v6 =	vimm.s32 $0xEFCDAB89;
	v7 =	vimm.s32 $0x67452301  }
0x4: {  	s2 =	srdreg.scid;
	s4 =	stileid.u32;
	s13 =	simm.s32 $0x2;
	vm0 =	vmmov $0xffff;
	v0 =	vunpack.c.l.s4.s8 v0;
	v3 =	vunpack.c.l.s4.s8 v3  }
0x5: {  	s15 =	simm.s32 $0x80;
	s31 =	simm.s32 $0x7880;
	s6 =	simm.s32 $0x8880;
	v1 =	vunpack.c.l.s4.s8 v1;
	v4 =	vunpack.c.l.s4.s8 v4;
	v5 =	vunpack.c.l.s4.s8 v5  }
0x6: {  	s12 =	simm.s32 $0xA080;
	s14 =	simm.s32 $0xA880;
	s11 =	simm.s32 $0xB080;
	v2 =	vunpack.c.l.s4.s8 v2;
	v0 =	vunpack.c.0.s8.s32 v0;
	v3 =	vunpack.c.0.s8.s32 v3  }
0x7: {  	s5 =	simm.s32 $0x1;
	s17 =	simm.s32 $0x0;
	s30 =	simm.s32 $0x0;
	v6 =	vunpack.c.l.s4.s8 v6;
	v7 =	vunpack.c.l.s4.s8 v7;
	v4 =	vunpack.c.0.s8.s32 v4  }
0x8: {  	[smem:$0x7FF] =	sst s3;
	s2 =	sand.u32 $0x1, s2;
	s7 =	sadd.s32 $0x400, s0;
	v5 =	vunpack.c.0.s8.s32 v5;
	v2 =	vunpack.c.0.s8.s32 v2;
	v8 =	vcombine.low v3, v0  }
0x9: {  	s29 =	sshll.u32 s4, $0x8;
	s9 =	sadd.s32 $0x100, s1;
	s26 =	ssub.s32 $0x2, s2;
	v0 =	vunpack.c.0.s8.s32 v6;
	v3 =	vunpack.c.0.s8.s32 v7;
	v6 =	vlaneseq.u32  }
0xa: {  	s10 =	sadd.s32 $0x200, s1;
	s3 =	simm.s32 $0x9880;
	s28 =	sshrl.u32 s26, $0x1;
	v5 =	vcombine.low v5, v4;
	v7 =	vunpack.c.0.s8.s32 v1;
	v4 =	vshrl.u32 v6, $0x3  }
0xb: {  	s4 =	simm.s32 $0xB880;
	s2 =	sshll.u32 s2, $0x7;
	s0 =	ssub.s32 s26, s28;
	v9 =	vcombine.low v3, v0;
	v0 =	vand.u32 $0x7, v6;
	v1 =	vmul.u32 $0x8, v4  }
0xc: {  	_ =	strace $0x80000047;
	s8 =	sor.u32 s2, s29;
	s0 =	smax.u32 s0, $0x1;
	v3 =	vand.u32 $0xF, v2;
	v2 =	vor.u32 $0x8, v6;
	v4 =	vand.u32 $0xF, v8  }
0xd: {  	s2 =	simm.s32 $0x9080;
	[dreg:$0x6] =	wrdreg s0;
	s0 =	simm.s32 $0x8080;
	v5 =	vand.u32 $0xF, v5;
	v3 =	vcombine.low v3, v7;
	v6 =	vand.u32 $0xF, v9  }
.LBB2_1:
0xe: {  	[dreg:$0x7] =	wrdreg s17  }
0xf: {  	s16 =	rddreg [dreg:$0x2];
	s26 =	simm.s32 $0x0;
	s18 =	simm.s32 $0xC080  }
0x10: {  	[tilespmem:s18], [sflag:$0x2] =	stream.linear.gather [hbm4b:s16+s26], $0x300, $0x38;
	[tilespmem:$0xC680] =	vst v63  }
0x11: {  	_ =	swait.ge [sflag:s13], $0x300  }
0x12: {  	[sflag:s13] =	ssyncset.done $0x0  }
0x13: {  	[sflag:s13] =	ssyncadd.s32 $0xFFFFFD00  }
0x14: {  	s29 =	simm.s32 $0xC380;
	s28 =	rddreg [dreg:$0x3]  }
0x15: {  	[tilespmem:s29], [sflag:$0x2] =	stream.linear.gather [hbm4b:s28+s26], $0x300, $0x38;
	[tilespmem:$0xC680] =	vst v63  }
0x16: {  	_ =	swait.ge [sflag:s13], $0x300  }
0x17: {  	[sflag:s13] =	ssyncset.done $0x0  }
0x18: {  	s16 =	simm.s32 $0x0;
	[sflag:s13] =	ssyncadd.s32 $0xFFFFFD00  }
.LBB2_2:
0x19: {  	s17 =	sshll.u32 s16, $0x3  }
0x1a: {  	s17 =	sadd.s32 s8, s17  }
0x1b: {  	s18 =	simm.s32 $0x0;
	s19 =	sadd.s32 s7, s17  }
0x1c: {  	[tilespmem:s18], [sflag:$0x2] =	stream.linear.gather [hbm4b:s19+s18], $0x40, $0x38;
	[tilespmem:$0xC680] =	vst v63  }
0x1d: {  	_ =	swait.ge [sflag:s13], $0x40  }
0x1e: {  	[sflag:s13] =	ssyncset.done $0x0  }
0x1f: {  	[sflag:s13] =	ssyncadd.s32 $0xFFFFFFC0  }
0x20: {  	v7 =	vld [tilespmem:$0x0];
	_ =	sdelay $0x4  }
0x21: {  	v8 =	vshrl.u32 v7, $0x3  }
0x22: {  	v8 =	vmul.u32 $0x30, v8  }
0x23: {  	v7 =	vand.u32 $0x7, v7  }
0x24: {  	v7 =	vor.u32 v7, v8  }
0x25: {  	v8 =	vperm.xlane v7, v0;
	_ =	sdelay $0x1  }
0x26: {  	v8 =	vadd.s32 v1, v8;
	_ =	sdelay $0x3  }
0x27: {  	v7 =	vperm.xlane v7, v2  }
0x28: {  	[tilespmem:s15], [sflag:$0x1] =	stream.indirect_vreg.gather [hbm4b:s1+s18], $0x80, v8, vm0, $0xb8;
	[tilespmem:$0xC680] =	vst v63  }
0x29: {  	s24 =	simm.s32 $0x880;
	v7 =	vadd.s32 v1, v7  }
0x2a: {  	[tilespmem:s24], [sflag:$0x1] =	stream.indirect_vreg.gather [hbm4b:s9+s18], $0x80, v8, vm0, $0xb8;
	[tilespmem:$0xC680] =	vst v63  }
0x2b: {  	s25 =	simm.s32 $0x1080  }
0x2c: {  	[tilespmem:s25], [sflag:$0x1] =	stream.indirect_vreg.gather [hbm4b:s10+s18], $0x80, v8, vm0, $0xb8;
	[tilespmem:$0xC680] =	vst v63  }
0x2d: {  	s26 =	simm.s32 $0x1880  }
0x2e: {  	[tilespmem:s26], [sflag:$0x1] =	stream.indirect_vreg.gather [hbm4b:s1+s18], $0x80, v7, vm0, $0xb8;
	[tilespmem:$0xC680] =	vst v63  }
0x2f: {  	s28 =	simm.s32 $0x2080  }
0x30: {  	[tilespmem:s28], [sflag:$0x1] =	stream.indirect_vreg.gather [hbm4b:s9+s18], $0x80, v7, vm0, $0xb8;
	[tilespmem:$0xC680] =	vst v63  }
0x31: {  	s29 =	simm.s32 $0x2880  }
0x32: {  	[tilespmem:s29], [sflag:$0x1] =	stream.indirect_vreg.gather [hbm4b:s10+s18], $0x80, v7, vm0, $0xb8;
	[tilespmem:$0xC680] =	vst v63  }
0x33: {  	v7 =	vld [tilespmem:$0x10];
	_ =	sdelay $0x4  }
0x34: {  	v8 =	vshrl.u32 v7, $0x3  }
0x35: {  	v8 =	vmul.u32 $0x30, v8  }
0x36: {  	v7 =	vand.u32 $0x7, v7  }
0x37: {  	v7 =	vor.u32 v7, v8  }
0x38: {  	v8 =	vperm.xlane v7, v0;
	_ =	sdelay $0x1  }
0x39: {  	v8 =	vadd.s32 v1, v8;
	_ =	sdelay $0x3  }
0x3a: {  	s20 =	simm.s32 $0x3080;
	v7 =	vperm.xlane v7, v2  }
0x3b: {  	[tilespmem:s20], [sflag:$0x1] =	stream.indirect_vreg.gather [hbm4b:s1+s18], $0x80, v8, vm0, $0xb8;
	[tilespmem:$0xC680] =	vst v63  }
0x3c: {  	s21 =	simm.s32 $0x3880;
	v7 =	vadd.s32 v1, v7  }
0x3d: {  	[tilespmem:s21], [sflag:$0x1] =	stream.indirect_vreg.gather [hbm4b:s9+s18], $0x80, v8, vm0, $0xb8;
	[tilespmem:$0xC680] =	vst v63  }
0x3e: {  	s22 =	simm.s32 $0x4080  }
0x3f: {  	[tilespmem:s22], [sflag:$0x1] =	stream.indirect_vreg.gather [hbm4b:s10+s18], $0x80, v8, vm0, $0xb8;
	[tilespmem:$0xC680] =	vst v63  }
0x40: {  	s23 =	simm.s32 $0x4880  }
0x41: {  	[tilespmem:s23], [sflag:$0x1] =	stream.indirect_vreg.gather [hbm4b:s1+s18], $0x80, v7, vm0, $0xb8;
	[tilespmem:$0xC680] =	vst v63  }
0x42: {  	s24 =	simm.s32 $0x5080  }
0x43: {  	[tilespmem:s24], [sflag:$0x1] =	stream.indirect_vreg.gather [hbm4b:s9+s18], $0x80, v7, vm0, $0xb8;
	[tilespmem:$0xC680] =	vst v63  }
0x44: {  	s25 =	simm.s32 $0x5880  }
0x45: {  	[tilespmem:s25], [sflag:$0x1] =	stream.indirect_vreg.gather [hbm4b:s10+s18], $0x80, v7, vm0, $0xb8;
	[tilespmem:$0xC680] =	vst v63  }
0x46: {  	v7 =	vld [tilespmem:$0x20];
	_ =	sdelay $0x4  }
0x47: {  	v8 =	vshrl.u32 v7, $0x3  }
0x48: {  	v8 =	vmul.u32 $0x30, v8  }
0x49: {  	v7 =	vand.u32 $0x7, v7  }
0x4a: {  	v7 =	vor.u32 v7, v8  }
0x4b: {  	v8 =	vperm.xlane v7, v0;
	_ =	sdelay $0x1  }
0x4c: {  	v8 =	vadd.s32 v1, v8;
	_ =	sdelay $0x3  }
0x4d: {  	s26 =	simm.s32 $0x6080;
	v7 =	vperm.xlane v7, v2  }
0x4e: {  	[tilespmem:s26], [sflag:$0x1] =	stream.indirect_vreg.gather [hbm4b:s1+s18], $0x80, v8, vm0, $0xb8;
	[tilespmem:$0xC680] =	vst v63  }
0x4f: {  	s28 =	simm.s32 $0x6880;
	v7 =	vadd.s32 v1, v7  }
0x50: {  	[tilespmem:s28], [sflag:$0x1] =	stream.indirect_vreg.gather [hbm4b:s9+s18], $0x80, v8, vm0, $0xb8;
	[tilespmem:$0xC680] =	vst v63  }
0x51: {  	s29 =	simm.s32 $0x7080  }
0x52: {  	[tilespmem:s29], [sflag:$0x1] =	stream.indirect_vreg.gather [hbm4b:s10+s18], $0x80, v8, vm0, $0xb8;
	[tilespmem:$0xC680] =	vst v63  }
0x53: {  	_ = 	snop  }
0x54: {  	[tilespmem:s31], [sflag:$0x1] =	stream.indirect_vreg.gather [hbm4b:s1+s18], $0x80, v7, vm0, $0xb8;
	[tilespmem:$0xC680] =	vst v63  }
0x55: {  	_ = 	snop  }
0x56: {  	[tilespmem:s0], [sflag:$0x1] =	stream.indirect_vreg.gather [hbm4b:s9+s18], $0x80, v7, vm0, $0xb8;
	[tilespmem:$0xC680] =	vst v63  }
0x57: {  	_ = 	snop  }
0x58: {  	[tilespmem:s6], [sflag:$0x1] =	stream.indirect_vreg.gather [hbm4b:s10+s18], $0x80, v7, vm0, $0xb8;
	[tilespmem:$0xC680] =	vst v63  }
0x59: {  	v7 =	vld [tilespmem:$0x30];
	_ =	sdelay $0x4  }
0x5a: {  	v8 =	vshrl.u32 v7, $0x3  }
0x5b: {  	v8 =	vmul.u32 $0x30, v8  }
0x5c: {  	v7 =	vand.u32 $0x7, v7  }
0x5d: {  	v7 =	vor.u32 v7, v8  }
0x5e: {  	v8 =	vperm.xlane v7, v0;
	_ =	sdelay $0x1  }
0x5f: {  	v8 =	vadd.s32 v1, v8;
	_ =	sdelay $0x3  }
0x60: {  	v7 =	vperm.xlane v7, v2  }
0x61: {  	[tilespmem:s2], [sflag:$0x1] =	stream.indirect_vreg.gather [hbm4b:s1+s18], $0x80, v8, vm0, $0xb8;
	[tilespmem:$0xC680] =	vst v63  }
0x62: {  	v7 =	vadd.s32 v1, v7  }
0x63: {  	[tilespmem:s3], [sflag:$0x1] =	stream.indirect_vreg.gather [hbm4b:s9+s18], $0x80, v8, vm0, $0xb8;
	[tilespmem:$0xC680] =	vst v63  }
0x64: {  	_ = 	snop  }
0x65: {  	[tilespmem:s12], [sflag:$0x1] =	stream.indirect_vreg.gather [hbm4b:s10+s18], $0x80, v8, vm0, $0xb8;
	[tilespmem:$0xC680] =	vst v63  }
0x66: {  	_ = 	snop  }
0x67: {  	[tilespmem:s14], [sflag:$0x1] =	stream.indirect_vreg.gather [hbm4b:s1+s18], $0x80, v7, vm0, $0xb8;
	[tilespmem:$0xC680] =	vst v63  }
0x68: {  	_ = 	snop  }
0x69: {  	[tilespmem:s11], [sflag:$0x1] =	stream.indirect_vreg.gather [hbm4b:s9+s18], $0x80, v7, vm0, $0xb8;
	[tilespmem:$0xC680] =	vst v63  }
0x6a: {  	_ = 	snop  }
0x6b: {  	[tilespmem:s4], [sflag:$0x1] =	stream.indirect_vreg.gather [hbm4b:s10+s18], $0x80, v7, vm0, $0xb8;
	[tilespmem:$0xC680] =	vst v63  }
0x6c: {  	_ =	swait.ge [sflag:s5], $0xC000  }
0x6d: {  	[sflag:s5] =	ssyncset.done $0x0  }
0x6e: {  	s19 =	simm.s32 $0x0;
	[sflag:s5] =	ssyncadd.s32 $0xFFFF4000  }
.LBB2_3:
0x6f: {  	s20 =	sshrl.u32 s19, $0x3  }
0x70: {  	s20 =	smul.u32 $0x6000, s20  }
0x71: {  	s21 =	sshll.u32 s19, $0x7  }
0x72: {  	s21 =	sand.u32 $0x380, s21;
	s20 =	sshra.s32 s20, $0x2  }
0x73: {  	s20 =	sor.u32 s21, s20  }
0x74: {  	s29 =	sand.u32 $0x1C00, s18;
	s20 =	sadd.s32 $0x80, s20  }
0x75: {  	s22 =	sand.u32 $0x70, s18;
	s21 =	sadd.s32 s29, s20  }
0x76: {  	s22 =	sadd.s32 s22, s21  }
0x77: {  	v9 =	vld [tilespmem:s22+$0x0]  }
0x78: {  	v7 =	vimm.f32 $0.0e+00;
	v8 =	vimm.f32 $0.0e+00;
	s21 =	simm.s32 $0x10;
	s22 =	simm.s32 $0x80  }
.LBB2_4:
0x79: {  	s23 =	sand.u32 $0x1C00, s22  }
0x7a: {  	p0 =	sne.s32 s21, $0x2F0;
	s24 =	smov.u32 s21;
	s21 =	sadd.s32 $0x10, s21  }
.Ltmp0:
0x7b: {  	s24 =	sand.u32 $0x70, s24;
	s23 =	sadd.s32 s23, s20;
	(pc) =	sbr.rel @p0 .LBB2_4-.Ltmp0, $4  }
0x7c: {  	s23 =	sadd.s32 s24, s23;
	v7 =	vadd.f32 v9, v7;
	v10 =	vmul.f32 v9, v9  }
0x7d: {  	v9 =	vld [tilespmem:s23+$0x0]  }
0x7e: {  	v8 =	vadd.f32 v10, v8  }
0x7f: {  	s22 =	sadd.s32 $0x80, s22  }
0x80: {  	_ =	sdelay $0x1  }
0x81: {  	v7 =	vadd.f32 v9, v7;
	v9 =	vmul.f32 v9, v9;
	_ =	sdelay $0x1  }
0x82: {  	v8 =	vadd.f32 v9, v8;
	v9 =	vperm.xlane v7, v3;
	_ =	sdelay $0x1  }
0x83: {  	v7 =	vadd.f32 v9, v7;
	v9 =	vperm.xlane v8, v3;
	_ =	sdelay $0x1  }
0x84: {  	v10 =	vperm.xlane v7, v4;
	v8 =	vadd.f32 v9, v8;
	_ =	sdelay $0x1  }
0x85: {  	v7 =	vadd.f32 v10, v7;
	v9 =	vperm.xlane v8, v4;
	_ =	sdelay $0x1  }
0x86: {  	v10 =	vperm.xlane v7, v5;
	v8 =	vadd.f32 v9, v8;
	_ =	sdelay $0x1  }
0x87: {  	v7 =	vadd.f32 v10, v7;
	v9 =	vperm.xlane v8, v5;
	_ =	sdelay $0x1  }
0x88: {  	v10 =	vperm.xlane v7, v6;
	v8 =	vadd.f32 v9, v8;
	_ =	sdelay $0x1  }
0x89: {  	v7 =	vadd.f32 v10, v7;
	v9 =	vperm.xlane v8, v6;
	_ =	sdelay $0x1  }
0x8a: {  	v7 =	vmul.f32 $1.302083370e-03, v7;
	v8 =	vadd.f32 v9, v8;
	_ =	sdelay $0x1  }
0x8b: {  	v9 =	vmul.f32 v7, v7;
	(v2sf) =	vpush v8, $0x0;
	_ =	sdelay $0x1  }
0x8c: {  	(v2sf) =	vpush v9, $0x0;
	_ =	sdelay $0xc  }
0x8d: {  	s21 =	spop (v2sf)  }
0x8e: {  	s21 =	smul.f32 $1.302083370e-03, s21  }
0x8f: {  	s22 =	spop (v2sf)  }
0x90: {  	s21 =	ssub.f32 s21, s22;
	_ =	sdelay $0x1  }
0x91: {  	s21 =	sadd.f32 $9.999999740e-06, s21;
	_ =	sdelay $0x1  }
0x92: {  	s26 =	sshrl.u32 s21, $0x1;
	s21 =	smul.f32 $5.000000000e-01, s21  }
0x93: {  	s22 =	ssub.s32 $0x5F3759DF, s26  }
0x94: {  	s23 =	smul.f32 s22, s21;
	_ =	sdelay $0x1  }
0x95: {  	s23 =	smul.f32 s22, s23;
	_ =	sdelay $0x1  }
0x96: {  	s23 =	ssub.f32 $1.500000000e+00, s23;
	_ =	sdelay $0x1  }
0x97: {  	s22 =	smul.f32 s22, s23;
	_ =	sdelay $0x1  }
0x98: {  	s23 =	smul.f32 s22, s21;
	_ =	sdelay $0x1  }
0x99: {  	s23 =	smul.f32 s23, s22;
	_ =	sdelay $0x1  }
0x9a: {  	s23 =	ssub.f32 $1.500000000e+00, s23  }
0x9b: {  	s24 =	simm.s32 $0x0  }
0x9c: {  	s29 =	sand.u32 $0x7000, s24;
	s23 =	smul.f32 s23, s22  }
0x9d: {  	s22 =	sshrl.u32 s29, $0x2  }
0x9e: {  	s24 =	sand.u32 $0x70, s24;
	s22 =	sadd.s32 s22, s20;
	s25 =	smul.f32 s23, s21  }
0x9f: {  	s21 =	sadd.s32 s24, s22  }
0xa0: {  	v8 =	vld [tilespmem:s21+$0x0];
	s26 =	smul.f32 s25, s23;
	_ =	sdelay $0x1  }
0xa1: {  	s29 =	ssub.f32 $1.500000000e+00, s26;
	_ =	sdelay $0x1  }
0xa2: {  	s22 =	simm.s32 $0xC080;
	s23 =	smul.f32 s29, s23  }
0xa3: {  	v10 =	vld [tilespmem:s22+$0x0];
	v9 =	vsub.f32 v8, v7  }
0xa4: {  	v8 =	vmov s23;
	s23 =	simm.s32 $0xC380  }
0xa5: {  	v11 =	vmul.f32 v9, v8;
	v9 =	vld [tilespmem:s23+$0x0];
	_ =	sdelay $0x2  }
0xa6: {  	s25 =	simm.s32 $0x200;
	v10 =	vmul.f32 v11, v10  }
0xa7: {  	s24 =	simm.s32 $0x10;
	s28 =	sand.u32 $0x7000, s25;
	s26 =	simm.s32 $0x20  }
.LBB2_6:
0xa8: {  	p0 =	sne.s32 s26, $0x2F0;
	s28 =	sshrl.u32 s28, $0x2;
	v9 =	vadd.f32 v10, v9  }
0xa9: {  	s29 =	sand.u32 $0x70, s24;
	s24 =	smov.u32 s26;
	s28 =	sadd.s32 s28, s20  }
0xaa: {  	[tilespmem:s21+$0x0] =	vst v9;
	s21 =	sadd.s32 s29, s28  }
0xab: {  	v9 =	vld [tilespmem:s21+$0x0];
	_ =	sdelay $0x2  }
0xac: {  	s22 =	sadd.s32 $0x10, s22  }
0xad: {  	v10 =	vld [tilespmem:s22+$0x0]  }
0xae: {  	s23 =	sadd.s32 $0x10, s23;
	v11 =	vsub.f32 v9, v7  }
.Ltmp1:
0xaf: {  	v9 =	vld [tilespmem:s23+$0x0];
	(pc) =	sbr.rel @p0 .LBB2_6-.Ltmp1, $3  }
0xb0: {  	v11 =	vmul.f32 v11, v8;
	_ =	sdelay $0x1  }
0xb1: {  	s25 =	sadd.s32 $0x200, s25;
	v10 =	vmul.f32 v11, v10  }
0xb2: {  	s26 =	sadd.s32 $0x10, s26;
	s28 =	sand.u32 $0x7000, s25  }
0xb3: {  	s25 =	sshrl.u32 s28, $0x2;
	v9 =	vadd.f32 v10, v9  }
0xb4: {  	s24 =	sand.u32 $0x70, s24;
	s20 =	sadd.s32 s25, s20  }
0xb5: {  	s20 =	sadd.s32 s24, s20;
	[tilespmem:s21+$0x0] =	vst v9  }
0xb6: {  	v9 =	vld [tilespmem:s20+$0x0];
	_ =	sdelay $0x2  }
0xb7: {  	s28 =	sadd.s32 $0x10, s22  }
0xb8: {  	v62 =	vld [tilespmem:s28+$0x0]  }
0xb9: {  	s29 =	sadd.s32 $0x10, s23;
	v7 =	vsub.f32 v9, v7  }
0xba: {  	v63 =	vld [tilespmem:s29+$0x0]  }
0xbb: {  	s19 =	sadd.s32 $0x1, s19;
	v7 =	vmul.f32 v7, v8  }
0xbc: {  	p0 =	sne.s32 s19, $0x40  }
.Ltmp2:
0xbd: {  	v7 =	vmul.f32 v7, v62;
	(pc) =	sbr.rel @p0 .LBB2_3-.Ltmp2, $3  }
0xbe: {  	_ = 	snop  }
0xbf: {  	v7 =	vadd.f32 v7, v63;
	_ =	sdelay $0x1  }
0xc0: {  	[tilespmem:s20+$0x0] =	vst v7  }
0xc1: {  	s17 =	smul.u32 $0x300, s17;
	s16 =	sadd.s32 $0x1, s16  }
0xc2: {  	s18 =	rddreg [dreg:$0x4];
	p0 =	sne.s32 s16, $0x10  }
.Ltmp3:
0xc3: {  	s17 =	sadd.s32 s18, s17;
	(pc) =	sbr.rel @p0 .LBB2_2-.Ltmp3, $4  }
0xc4: {  	[hbm4b:s17+s30] =	stream.linear.scatter [tilespmem:s15], [sflag:$0x2], $0xC000, $0x38;
	[tilespmem:$0xC680] =	vst v63  }
0xc5: {  	_ =	swait.ge [sflag:s13], $0xC000  }
0xc6: {  	[sflag:s13] =	ssyncset.done $0x0  }
0xc7: {  	[sflag:s13] =	ssyncadd.s32 $0xFFFF4000  }
0xc8: {  	s17 =	rddreg [dreg:$0x7]  }
0xc9: {  	s16 =	rddreg [dreg:$0x6];
	s17 =	sadd.s32 $0x1, s17  }
0xca: {  	p0 =	sne.s32 s17, s16  }
.Ltmp4:
0xcb: {  	_ = 	snop;
	(pc) =	sbr.rel @p0 .LBB2_1-.Ltmp4, $1  }
0xcc: {  	_ =	sdelay $0x3  }
0xcd: {  	_ =	sfence.sel $0x180000  }
0xce: {  	[bflag:$0x0] =	sbarrier.arrive $0xFFFF  }
0xcf: {  	_ =	strace $0x90000047  }
0xd0: {  	s0 =	stileid.u32;
	[bflag:$0x2] =	sbarrier.arrive $0xFFFF  }
0xd1: {  	p0 =	sne.s32 s0, $0x0;
	s0 =	rddreg [dreg:$0x5]  }
0xd2: {  	s0 =	sadd.s32 @!p0 $0x100000, s0  }
0xd3: {  	[sflag:s0] =	ssyncadd.tile.s32 @!p0 $0x1;
	_ =	shalt  }
.Lfunc_end2:
_tile_overlayer_lowered:
.L_overlay_start_2:
0xd4: {  	(tag) =	ssettag $0x2  }
0xd5: {  	s0 =	rddreg [dreg:$0x0];
	s2 =	stileid.u32  }
0xd6: {  	s1 =	rddreg [dreg:$0x1];
	p0 =	sne.s32 s2, $0x0  }
0xd7: {  	s3 =	rddreg [dreg:$0x2];
	[bflag:$0x3] =	sbarrier.arrive $0xFFFF;
	s2 =	simm.s32 @!p0 $0x1C02  }
0xd8: {  	[timem:s3], [sflag:s2] =	dma.local @!p0 [hbm:s0], s1  }
0xd9: {  	s0 =	simm.s32 @!p0 $0x2  }
0xda: {  	_ =	swait.ge @!p0 [sflag:s0], s1  }
0xdb: {  	s1 =	ssub.s32 @!p0 $0x0, s1;
	[sflag:s0] =	ssyncset.done @!p0 $0x0  }
0xdc: {  	[sflag:s0] =	ssyncadd.s32 @!p0 s1  }
0xdd: {  	[bflag:$0x3] =	sbarrier.arrive $0xFFFF  }
0xde: {  	_ =	shalt  }

</sc_bundles>
